<compile_context>
chip_gen: v7x
topology: tpu7x:2x2x1
jax: 0.10.2.dev20260603
libtpu: 0.0.44.dev20260713+nightly
codegen_flags: <defaults>
</compile_context>

<pallas_src>
import functools

import jax
import jax.numpy as jnp
from jax import lax
from jax.experimental import pallas as pl
from jax.experimental.pallas import tpu as pltpu
from jax.experimental.pallas import tpu_sc as plsc


_ROWS_PER_TILE = 256
_K_CHUNK = 1024


def _vq_body(x_ref, cbt2_ref, idx_ref, loss_ref, c2_ref):
    i = pl.program_id(0)
    k_total = cbt2_ref.shape[1]
    rows = x_ref.shape[0]
    kc = _K_CHUNK

    @pl.when(i == 0)
    def _init():
        cb = cbt2_ref[...]
        c2_ref[...] = 0.25 * jnp.sum(cb * cb, axis=0, keepdims=True)
        loss_ref[0, 0] = 0.0

    x = x_ref[...]
    x2 = jnp.sum(x * x, axis=1, keepdims=True)
    iota_f = lax.broadcasted_iota(jnp.int32, (rows, kc), 1).astype(jnp.float32)

    best_val = None
    for k in range(k_total // kc):
        xc2 = jnp.dot(x, cbt2_ref[:, k * kc:(k + 1) * kc],
                      preferred_element_type=jnp.float32)
        dist = x2 + xc2 + c2_ref[0:1, k * kc:(k + 1) * kc]
        cmin = jnp.min(dist, axis=1)
        cidx = jnp.min(jnp.where(dist == cmin[:, None], iota_f, jnp.inf),
                       axis=1) + float(k * kc)
        if best_val is None:
            best_val, best_idx = cmin, cidx
        else:
            upd = cmin < best_val
            best_val = jnp.where(upd, cmin, best_val)
            best_idx = jnp.where(upd, cidx, best_idx)

    idx_ref[...] = best_idx.astype(jnp.int32)
    loss_ref[0, 0] += jnp.sum(best_val)


def _vq_pallas(x, cbt2):
    r, d = x.shape
    k = cbt2.shape[1]
    grid = (r // _ROWS_PER_TILE,)
    return pl.pallas_call(
        _vq_body,
        grid=grid,
        in_specs=[
            pl.BlockSpec((_ROWS_PER_TILE, d), lambda i: (i, 0)),
            pl.BlockSpec((d, k), lambda i: (0, 0)),
        ],
        out_specs=[
            pl.BlockSpec((_ROWS_PER_TILE,), lambda i: (i,)),
            pl.BlockSpec(memory_space=pltpu.SMEM),
        ],
        out_shape=[
            jax.ShapeDtypeStruct((r,), jnp.int32),
            jax.ShapeDtypeStruct((1, 1), jnp.float32),
        ],
        scratch_shapes=[pltpu.VMEM((1, k), jnp.float32)],
    )(x, cbt2)


def _dec_body(cb_ref, w1_ref, b1_ref, w2_ref, b2_ref, out_ref):
    h = jnp.dot(cb_ref[...], w1_ref[...],
                preferred_element_type=jnp.float32) + b1_ref[...]
    h = jnp.maximum(h, 0.0)
    out_ref[...] = jnp.dot(h, w2_ref[...],
                           preferred_element_type=jnp.float32) + b2_ref[...]


def _decode_pallas(codebook, w1, b1, w2, b2):
    k, d = codebook.shape
    h = w1.shape[1]
    tile = 1024
    return pl.pallas_call(
        _dec_body,
        grid=(k // tile,),
        in_specs=[
            pl.BlockSpec((tile, d), lambda i: (i, 0)),
            pl.BlockSpec((d, h), lambda i: (0, 0)),
            pl.BlockSpec((1, h), lambda i: (0, 0)),
            pl.BlockSpec((h, d), lambda i: (0, 0)),
            pl.BlockSpec((1, d), lambda i: (0, 0)),
        ],
        out_specs=pl.BlockSpec((tile, d), lambda i: (i, 0)),
        out_shape=jax.ShapeDtypeStruct((k, d), jnp.float32),
    )(codebook, w1, b1, w2, b2)


_GATHER_CHUNK = 128


def _sc_gather(table, idx):
    r = idx.shape[0]
    d = table.shape[1]
    info = plsc.get_sparse_core_info()
    nw = info.num_cores * info.num_subcores
    b_per_w = r // nw
    chunks = b_per_w // _GATHER_CHUNK
    mesh = plsc.VectorSubcoreMesh(core_axis_name="c", subcore_axis_name="s")

    @functools.partial(
        pl.kernel,
        out_type=jax.ShapeDtypeStruct((r, d), jnp.float32),
        mesh=mesh,
        scratch_types=[
            pltpu.VMEM((_GATHER_CHUNK,), jnp.int32),
            pltpu.VMEM((_GATHER_CHUNK, d), jnp.float32),
            pltpu.SemaphoreType.DMA,
        ],
    )
    def gather_kernel(table_hbm, idx_hbm, out_hbm, idx_v, rows_v, sem):
        wid = lax.axis_index("s") * info.num_cores + lax.axis_index("c")
        base = wid * b_per_w

        def chunk(j, carry):
            o = base + j * _GATHER_CHUNK
            pltpu.sync_copy(idx_hbm.at[pl.ds(o, _GATHER_CHUNK)], idx_v)
            pltpu.async_copy(table_hbm.at[idx_v], rows_v, sem).wait()
            pltpu.sync_copy(rows_v, out_hbm.at[pl.ds(o, _GATHER_CHUNK)])
            return carry

        lax.fori_loop(0, chunks, chunk, 0)

    return gather_kernel(table, idx)


def kernel(features, codebook, W1, b1, W2, b2):
    b, n, d = features.shape
    r = b * n
    x = features.reshape(r, d)
    cbt2 = -2.0 * codebook.T
    idx_flat, minsum = _vq_pallas(x, cbt2)
    decoded = _decode_pallas(codebook, W1, b1.reshape(1, -1), W2, b2.reshape(1, -1))
    recon = _sc_gather(decoded, idx_flat)
    commit_loss = 0.25 * minsum[0, 0] / (r * d)
    return recon.reshape(b, n, d), idx_flat.reshape(b, n), commit_loss

# --- scband reference (transcript-rebuilt; emitter-appended) ---
"""Pipeline reference for scband-vqvaequantizer-84705345012107 (READ-ONLY COPY).

The authoritative reference and input builder live on the scoring server;
editing this copy changes nothing except your own understanding.
"""

import jax, jax.numpy as jnp
import numpy as np


def setup_inputs(seed: int = 0) -> dict:
    key = jax.random.key(seed)
    k1, k2, k3, k4 = jax.random.split(key, 4)
    features = jax.random.normal(k1, (32, 1024, 256), dtype=jnp.float32)
    codebook = jax.random.normal(k2, (8192, 256), dtype=jnp.float32)
    W1 = jax.random.normal(k3, (256, 512), dtype=jnp.float32) * 0.05
    b1 = jnp.zeros((512,), dtype=jnp.float32)
    W2 = jax.random.normal(k4, (512, 256), dtype=jnp.float32) * 0.05
    b2 = jnp.zeros((256,), dtype=jnp.float32)
    return {"features": features, "codebook": codebook, "W1": W1, "b1": b1, "W2": W2, "b2": b2}


def reference(features, codebook, W1, b1, W2, b2):
    commitment_cost = 0.25
    x = features
    # Vector quantization: nearest codebook entry by L2 distance
    x2 = jnp.sum(x * x, axis=-1, keepdims=True)              # [B, N, 1]
    c2 = jnp.sum(codebook * codebook, axis=-1)               # [K]
    xc = jnp.einsum('bnd,kd->bnk', x, codebook)              # [B, N, K] compute-heavy
    dist = x2 - 2.0 * xc + c2
    indices = jnp.argmin(dist, axis=-1)                      # [B, N]
    q = jnp.take(codebook, indices, axis=0)                  # [B, N, D] gather
    # Commitment loss (codebook treated as EMA-updated -> detached)
    commit_loss = commitment_cost * jnp.mean((jax.lax.stop_gradient(q) - x) ** 2)
    # Straight-through estimator
    quantized = x + jax.lax.stop_gradient(q - x)
    # Decoder: Linear(256->512) + ReLU + Linear(512->256)
    h = jax.nn.relu(jnp.einsum('bnd,df->bnf', quantized, W1) + b1)
    reconstructed = jnp.einsum('bnf,fd->bnd', h, W2) + b2
    return reconstructed, indices, commit_loss

if __name__ == "__main__":
    import jax
    _d = setup_inputs()
    print(jax.jit(kernel)(*tuple(_d.values())))

</pallas_src>

<mosaic_0001>
#map = affine_map<(d0, d1) -> (0, 0)>
#map1 = affine_map<(d0, d1) -> (0)>
module attributes {stable_mosaic.version = 14 : i64} {
  func.func @gather_kernel(%arg0: i32, %arg1: i32, %arg2: memref<8192x256xf32, #tpu.memory_space<hbm>>, %arg3: memref<32768xi32, #tpu.memory_space<hbm>>, %arg4: memref<32768x256xf32, #tpu.memory_space<hbm>>, %arg5: memref<128xi32, #tpu.memory_space<vmem>>, %arg6: memref<128x256xf32, #tpu.memory_space<vmem>>, %arg7: memref<!tpu.dma_semaphore, #tpu.memory_space<semaphore_mem>>) attributes {dimension_semantics = [#tpu.dimension_semantics<core_parallel>, #tpu.dimension_semantics<subcore_parallel>], iteration_bounds = array<i64: 2, 16>, scalar_prefetch = 0 : i64, scratch_operands = 3 : i64, tpu.core_type = #tpu.core_type<sc_vector_subcore>, window_params = [{transform_indices = #map}, {transform_indices = #map1}, {transform_indices = #map}]} {
    %mul3A = arith.constant 2 : i32
    %mul3A_0 = arith.muli %arg1, %mul3A : i32
    %add3A = arith.addi %mul3A_0, %arg0 : i32
    %mul3A_1 = arith.constant 1024 : i32
    %mul3A_2 = arith.muli %add3A, %mul3A_1 : i32
    %scan3A = arith.constant 0 : i32
    %scan3A_3 = arith.constant 0 : i32
    %scan3A_4 = arith.constant 8 : i32
    %scan3A_5 = arith.addi %scan3A_3, %scan3A_4 : i32
    %scan3A_6 = arith.constant 1 : i32
    scf.for %scan3A_8 = %scan3A_3 to %scan3A_5 step %scan3A_6  : i32 {
      %mul3A_9 = arith.constant 128 : i32
      %mul3A_10 = arith.muli %scan3A_8, %mul3A_9 : i32
      %add3A_11 = arith.addi %mul3A_2, %mul3A_10 : i32
      "tpu.region"() ({
        %run_scoped3A = tpu.sem_alloc : memref<!tpu.dma_semaphore, #tpu.memory_space<semaphore_mem>>
        %dma_start3A_16 = tpu.memref_slice %arg3[%add3A_11] : memref<32768xi32, #tpu.memory_space<hbm>> -> memref<128xi32, #tpu.memory_space<hbm>>
        %dma_start3A_17 = tpu.memref_slice %arg3[%add3A_11] : memref<32768xi32, #tpu.memory_space<hbm>> -> memref<128xi32, #tpu.memory_space<hbm>>
        tpu.enqueue_dma source(%dma_start3A_17 : memref<128xi32, #tpu.memory_space<hbm>>) target(%arg5 : memref<128xi32, #tpu.memory_space<vmem>>) target_semaphore(%run_scoped3A : memref<!tpu.dma_semaphore, #tpu.memory_space<semaphore_mem>>)
        %dma_wait3A_18 = tpu.memref_slice %arg3[%add3A_11] : memref<32768xi32, #tpu.memory_space<hbm>> -> memref<128xi32, #tpu.memory_space<hbm>>
        %dma_wait3A_19 = tpu.memref_slice %arg3[%add3A_11] : memref<32768xi32, #tpu.memory_space<hbm>> -> memref<128xi32, #tpu.memory_space<hbm>>
        tpu.wait_dma2 semaphore(%run_scoped3A : memref<!tpu.dma_semaphore, #tpu.memory_space<semaphore_mem>>) src(%dma_wait3A_19 : memref<128xi32, #tpu.memory_space<hbm>>) dst(%arg5 : memref<128xi32, #tpu.memory_space<vmem>>)
        tpu.yield
      }) : () -> ()
      %dma_start3A = arith.constant 0 : i32
      %dma_start3A_12 = arith.constant 0 : i32
      %dma_start3A_13 = tpu.memref_slice %arg2[%dma_start3A, %dma_start3A_12] : memref<8192x256xf32, #tpu.memory_space<hbm>> -> memref<8192x256xf32, #tpu.memory_space<hbm>>
      tpu.enqueue_indirect_dma source(%dma_start3A_13 : memref<8192x256xf32, #tpu.memory_space<hbm>>) target(%arg6 : memref<128x256xf32, #tpu.memory_space<vmem>>) offsets(%arg5 : memref<128xi32, #tpu.memory_space<vmem>>) semaphore(%arg7 : memref<!tpu.dma_semaphore, #tpu.memory_space<semaphore_mem>>)
      %dma_wait3A = arith.constant 0 : i32
      %dma_wait3A_14 = arith.constant 0 : i32
      %dma_wait3A_15 = tpu.memref_slice %arg2[%dma_wait3A, %dma_wait3A_14] : memref<8192x256xf32, #tpu.memory_space<hbm>> -> memref<8192x256xf32, #tpu.memory_space<hbm>>
      tpu.wait_indirect_dma semaphore(%arg7 : memref<!tpu.dma_semaphore, #tpu.memory_space<semaphore_mem>>) src(%dma_wait3A_15 : memref<8192x256xf32, #tpu.memory_space<hbm>>) dst(%arg6 : memref<128x256xf32, #tpu.memory_space<vmem>>)
      "tpu.region"() ({
        %run_scoped3A = tpu.sem_alloc : memref<!tpu.dma_semaphore, #tpu.memory_space<semaphore_mem>>
        %dma_start3A_16 = arith.constant 0 : i32
        %dma_start3A_17 = tpu.memref_slice %arg4[%add3A_11, %dma_start3A_16] : memref<32768x256xf32, #tpu.memory_space<hbm>> -> memref<128x256xf32, #tpu.memory_space<hbm>>
        %dma_start3A_18 = arith.constant 0 : i32
        %dma_start3A_19 = tpu.memref_slice %arg4[%add3A_11, %dma_start3A_18] : memref<32768x256xf32, #tpu.memory_space<hbm>> -> memref<128x256xf32, #tpu.memory_space<hbm>>
        tpu.enqueue_dma source(%arg6 : memref<128x256xf32, #tpu.memory_space<vmem>>) target(%dma_start3A_19 : memref<128x256xf32, #tpu.memory_space<hbm>>) target_semaphore(%run_scoped3A : memref<!tpu.dma_semaphore, #tpu.memory_space<semaphore_mem>>)
        %dma_wait3A_20 = arith.constant 0 : i32
        %dma_wait3A_21 = tpu.memref_slice %arg4[%add3A_11, %dma_wait3A_20] : memref<32768x256xf32, #tpu.memory_space<hbm>> -> memref<128x256xf32, #tpu.memory_space<hbm>>
        %dma_wait3A_22 = arith.constant 0 : i32
        %dma_wait3A_23 = tpu.memref_slice %arg4[%add3A_11, %dma_wait3A_22] : memref<32768x256xf32, #tpu.memory_space<hbm>> -> memref<128x256xf32, #tpu.memory_space<hbm>>
        tpu.wait_dma2 semaphore(%run_scoped3A : memref<!tpu.dma_semaphore, #tpu.memory_space<semaphore_mem>>) src(%arg6 : memref<128x256xf32, #tpu.memory_space<vmem>>) dst(%dma_wait3A_23 : memref<128x256xf32, #tpu.memory_space<hbm>>)
        tpu.yield
      }) : () -> ()
    }
    %scan3A_7 = arith.constant 8 : i32
    return
  }
}

module attributes {stable_mosaic.version = 14 : i64} {
  func.func @_vq_body(%arg0: i32, %arg1: memref<256x256xf32, #tpu.memory_space<vmem>>, %arg2: memref<256x8192xf32, #tpu.memory_space<vmem>>, %arg3: memref<256xi32, #tpu.memory_space<vmem>>, %arg4: memref<1x1xf32, #tpu.memory_space<smem>>, %arg5: memref<1x8192xf32, #tpu.memory_space<vmem>>) attributes {dimension_semantics = [#tpu.dimension_semantics<arbitrary>], iteration_bounds = array<i64: 128>, scalar_prefetch = 0 : i64, scratch_operands = 1 : i64, tpu.core_type = #tpu.core_type<tc>, window_params = [{transform_indices = @transform_0, window_bounds = array<i64: 256, 256>}, {pipeline_mode = #tpu.pipeline_mode<synchronous>, transform_indices = @transform_1, window_bounds = array<i64: 256, 8192>}, {transform_indices = @transform_2, window_bounds = array<i64: 256>}, {transform_indices = @transform_3, window_bounds = array<i64: 1, 1>}]} {
    %eq3A = arith.constant 0 : i32
    %eq3A_0 = arith.cmpi eq, %arg0, %eq3A : i32
    %convert_element_type3A = arith.extui %eq3A_0 : i1 to i32
    %cond3A = arith.constant 0 : i32
    %cond3A_1 = arith.cmpi ne, %convert_element_type3A, %cond3A : i32
    scf.if %cond3A_1 {
      %get3A_235 = arith.constant 0 : index
      %get3A_236 = arith.constant 0 : index
      %get3A_237 = vector.load %arg2[%get3A_235, %get3A_236] : memref<256x8192xf32, #tpu.memory_space<vmem>>, vector<256x8192xf32>
      %mul3A_238 = arith.mulf %get3A_237, %get3A_237 : vector<256x8192xf32>
      %reduce_sum3A_239 = arith.constant dense<0.000000e+00> : vector<8192xf32>
      %reduce_sum3A_240 = vector.multi_reduction <add>, %mul3A_238, %reduce_sum3A_239 [0] : vector<256x8192xf32> to vector<8192xf32>
      %broadcast_in_dim3A_241 = vector.shape_cast %reduce_sum3A_240 : vector<8192xf32> to vector<1x8192xf32>
      %mul3A_242 = arith.constant 2.500000e-01 : f32
      %mul3A_243 = vector.broadcast %mul3A_242 : f32 to vector<1x8192xf32>
      %mul3A_244 = arith.mulf %mul3A_243, %broadcast_in_dim3A_241 : vector<1x8192xf32>
      %swap3A_245 = arith.constant 0 : index
      %swap3A_246 = arith.constant 0 : index
      %swap3A_247 = vector.load %arg5[%swap3A_245, %swap3A_246] : memref<1x8192xf32, #tpu.memory_space<vmem>>, vector<1x8192xf32>
      tpu.vector_store %arg5[%swap3A_245, %swap3A_246], %mul3A_244 {strides = array<i32>} : memref<1x8192xf32, #tpu.memory_space<vmem>>, vector<1x8192xf32>,
      %swap3A_248 = arith.constant 0.000000e+00 : f32
      %swap3A_249 = arith.constant 0 : index
      %swap3A_250 = arith.constant 0 : index
      %swap3A_251 = memref.load %arg4[%swap3A_249, %swap3A_250] : memref<1x1xf32, #tpu.memory_space<smem>>
      memref.store %swap3A_248, %arg4[%swap3A_249, %swap3A_250] : memref<1x1xf32, #tpu.memory_space<smem>>
    } else {
    }
    %get3A = arith.constant 0 : index
    %get3A_2 = arith.constant 0 : index
    %get3A_3 = vector.load %arg1[%get3A, %get3A_2] : memref<256x256xf32, #tpu.memory_space<vmem>>, vector<256x256xf32>
    %mul3A = arith.mulf %get3A_3, %get3A_3 : vector<256x256xf32>
    %reduce_sum3A = arith.constant dense<0.000000e+00> : vector<256xf32>
    %reduce_sum3A_4 = vector.multi_reduction <add>, %mul3A, %reduce_sum3A [1] : vector<256x256xf32> to vector<256xf32>
    %broadcast_in_dim3A = vector.shape_cast %reduce_sum3A_4 : vector<256xf32> to vector<256x1xf32>
    %iota3A = tpu.iota {dimensions = array<i32: 1>} : vector<256x1024xi32>
    %convert_element_type3A_5 = arith.sitofp %iota3A : vector<256x1024xi32> to vector<256x1024xf32>
    %get3A_6 = arith.constant 0 : index
    %get3A_7 = arith.constant 0 : index
    %get3A_8 = vector.load %arg2[%get3A_6, %get3A_7] : memref<256x8192xf32, #tpu.memory_space<vmem>>, vector<256x1024xf32>
    %dot_general3A = arith.constant dense<0.000000e+00> : vector<256x1024xf32>
    %dot_general3A_9 = tpu.matmul %get3A_3, %get3A_8, %dot_general3A {dimension_numbers = #tpu.dot_dimension_numbers<[1], [0], [0], [1], [0, 0, 1, 1], [], []>, transpose_lhs_hint = false} : vector<256x256xf32>, vector<256x1024xf32>, vector<256x1024xf32> -> vector<256x1024xf32>
    %add3A = vector.broadcast %broadcast_in_dim3A : vector<256x1xf32> to vector<256x1024xf32>
    %add3A_10 = arith.addf %add3A, %dot_general3A_9 : vector<256x1024xf32>
    %get3A_11 = arith.constant 0 : index
    %get3A_12 = arith.constant 0 : index
    %get3A_13 = vector.load %arg5[%get3A_11, %get3A_12] : memref<1x8192xf32, #tpu.memory_space<vmem>>, vector<1x1024xf32>
    %add3A_14 = vector.broadcast %get3A_13 : vector<1x1024xf32> to vector<256x1024xf32>
    %add3A_15 = arith.addf %add3A_10, %add3A_14 : vector<256x1024xf32>
    %reduce_min3A = arith.constant dense<0x7F800000> : vector<256xf32>
    %reduce_min3A_16 = vector.multi_reduction <minimumf>, %add3A_15, %reduce_min3A [1] : vector<256x1024xf32> to vector<256xf32>
    %broadcast_in_dim3A_17 = vector.shape_cast %reduce_min3A_16 : vector<256xf32> to vector<256x1xf32>
    %eq3A_18 = vector.broadcast %broadcast_in_dim3A_17 : vector<256x1xf32> to vector<256x1024xf32>
    %eq3A_19 = arith.cmpf oeq, %add3A_15, %eq3A_18 : vector<256x1024xf32>
    %jit3A = arith.constant 0x7F800000 : f32
    %broadcast_in_dim3A_20 = vector.broadcast %jit3A : f32 to vector<256x1024xf32>
    %select_n3A = arith.select %eq3A_19, %convert_element_type3A_5, %broadcast_in_dim3A_20 : vector<256x1024xi1>, vector<256x1024xf32>
    %reduce_min3A_21 = arith.constant dense<0x7F800000> : vector<256xf32>
    %reduce_min3A_22 = vector.multi_reduction <minimumf>, %select_n3A, %reduce_min3A_21 [1] : vector<256x1024xf32> to vector<256xf32>
    %add3A_23 = arith.constant 0.000000e+00 : f32
    %add3A_24 = vector.broadcast %add3A_23 : f32 to vector<256xf32>
    %add3A_25 = arith.addf %reduce_min3A_22, %add3A_24 : vector<256xf32>
    %get3A_26 = arith.constant 0 : index
    %get3A_27 = arith.constant 1024 : index
    %get3A_28 = vector.load %arg2[%get3A_26, %get3A_27] : memref<256x8192xf32, #tpu.memory_space<vmem>>, vector<256x1024xf32>
    %dot_general3A_29 = arith.constant dense<0.000000e+00> : vector<256x1024xf32>
    %dot_general3A_30 = tpu.matmul %get3A_3, %get3A_28, %dot_general3A_29 {dimension_numbers = #tpu.dot_dimension_numbers<[1], [0], [0], [1], [0, 0, 1, 1], [], []>, transpose_lhs_hint = false} : vector<256x256xf32>, vector<256x1024xf32>, vector<256x1024xf32> -> vector<256x1024xf32>
    %add3A_31 = vector.broadcast %broadcast_in_dim3A : vector<256x1xf32> to vector<256x1024xf32>
    %add3A_32 = arith.addf %add3A_31, %dot_general3A_30 : vector<256x1024xf32>
    %get3A_33 = arith.constant 0 : index
    %get3A_34 = arith.constant 1024 : index
    %get3A_35 = vector.load %arg5[%get3A_33, %get3A_34] : memref<1x8192xf32, #tpu.memory_space<vmem>>, vector<1x1024xf32>
    %add3A_36 = vector.broadcast %get3A_35 : vector<1x1024xf32> to vector<256x1024xf32>
    %add3A_37 = arith.addf %add3A_32, %add3A_36 : vector<256x1024xf32>
    %reduce_min3A_38 = arith.constant dense<0x7F800000> : vector<256xf32>
    %reduce_min3A_39 = vector.multi_reduction <minimumf>, %add3A_37, %reduce_min3A_38 [1] : vector<256x1024xf32> to vector<256xf32>
    %broadcast_in_dim3A_40 = vector.shape_cast %reduce_min3A_39 : vector<256xf32> to vector<256x1xf32>
    %eq3A_41 = vector.broadcast %broadcast_in_dim3A_40 : vector<256x1xf32> to vector<256x1024xf32>
    %eq3A_42 = arith.cmpf oeq, %add3A_37, %eq3A_41 : vector<256x1024xf32>
    %jit3A_43 = arith.constant 0x7F800000 : f32
    %broadcast_in_dim3A_44 = vector.broadcast %jit3A_43 : f32 to vector<256x1024xf32>
    %select_n3A_45 = arith.select %eq3A_42, %convert_element_type3A_5, %broadcast_in_dim3A_44 : vector<256x1024xi1>, vector<256x1024xf32>
    %reduce_min3A_46 = arith.constant dense<0x7F800000> : vector<256xf32>
    %reduce_min3A_47 = vector.multi_reduction <minimumf>, %select_n3A_45, %reduce_min3A_46 [1] : vector<256x1024xf32> to vector<256xf32>
    %add3A_48 = arith.constant 1.024000e+03 : f32
    %add3A_49 = vector.broadcast %add3A_48 : f32 to vector<256xf32>
    %add3A_50 = arith.addf %reduce_min3A_47, %add3A_49 : vector<256xf32>
    %lt3A = arith.cmpf olt, %reduce_min3A_39, %reduce_min3A_16 : vector<256xf32>
    %select_n3A_51 = arith.select %lt3A, %reduce_min3A_39, %reduce_min3A_16 : vector<256xi1>, vector<256xf32>
    %select_n3A_52 = arith.select %lt3A, %add3A_50, %add3A_25 : vector<256xi1>, vector<256xf32>
    %get3A_53 = arith.constant 0 : index
    %get3A_54 = arith.constant 2048 : index
    %get3A_55 = vector.load %arg2[%get3A_53, %get3A_54] : memref<256x8192xf32, #tpu.memory_space<vmem>>, vector<256x1024xf32>
    %dot_general3A_56 = arith.constant dense<0.000000e+00> : vector<256x1024xf32>
    %dot_general3A_57 = tpu.matmul %get3A_3, %get3A_55, %dot_general3A_56 {dimension_numbers = #tpu.dot_dimension_numbers<[1], [0], [0], [1], [0, 0, 1, 1], [], []>, transpose_lhs_hint = false} : vector<256x256xf32>, vector<256x1024xf32>, vector<256x1024xf32> -> vector<256x1024xf32>
    %add3A_58 = vector.broadcast %broadcast_in_dim3A : vector<256x1xf32> to vector<256x1024xf32>
    %add3A_59 = arith.addf %add3A_58, %dot_general3A_57 : vector<256x1024xf32>
    %get3A_60 = arith.constant 0 : index
    %get3A_61 = arith.constant 2048 : index
    %get3A_62 = vector.load %arg5[%get3A_60, %get3A_61] : memref<1x8192xf32, #tpu.memory_space<vmem>>, vector<1x1024xf32>
    %add3A_63 = vector.broadcast %get3A_62 : vector<1x1024xf32> to vector<256x1024xf32>
    %add3A_64 = arith.addf %add3A_59, %add3A_63 : vector<256x1024xf32>
    %reduce_min3A_65 = arith.constant dense<0x7F800000> : vector<256xf32>
    %reduce_min3A_66 = vector.multi_reduction <minimumf>, %add3A_64, %reduce_min3A_65 [1] : vector<256x1024xf32> to vector<256xf32>
    %broadcast_in_dim3A_67 = vector.shape_cast %reduce_min3A_66 : vector<256xf32> to vector<256x1xf32>
    %eq3A_68 = vector.broadcast %broadcast_in_dim3A_67 : vector<256x1xf32> to vector<256x1024xf32>
    %eq3A_69 = arith.cmpf oeq, %add3A_64, %eq3A_68 : vector<256x1024xf32>
    %jit3A_70 = arith.constant 0x7F800000 : f32
    %broadcast_in_dim3A_71 = vector.broadcast %jit3A_70 : f32 to vector<256x1024xf32>
    %select_n3A_72 = arith.select %eq3A_69, %convert_element_type3A_5, %broadcast_in_dim3A_71 : vector<256x1024xi1>, vector<256x1024xf32>
    %reduce_min3A_73 = arith.constant dense<0x7F800000> : vector<256xf32>
    %reduce_min3A_74 = vector.multi_reduction <minimumf>, %select_n3A_72, %reduce_min3A_73 [1] : vector<256x1024xf32> to vector<256xf32>
    %add3A_75 = arith.constant 2.048000e+03 : f32
    %add3A_76 = vector.broadcast %add3A_75 : f32 to vector<256xf32>
    %add3A_77 = arith.addf %reduce_min3A_74, %add3A_76 : vector<256xf32>
    %lt3A_78 = arith.cmpf olt, %reduce_min3A_66, %select_n3A_51 : vector<256xf32>
    %select_n3A_79 = arith.select %lt3A_78, %reduce_min3A_66, %select_n3A_51 : vector<256xi1>, vector<256xf32>
    %select_n3A_80 = arith.select %lt3A_78, %add3A_77, %select_n3A_52 : vector<256xi1>, vector<256xf32>
    %get3A_81 = arith.constant 0 : index
    %get3A_82 = arith.constant 3072 : index
    %get3A_83 = vector.load %arg2[%get3A_81, %get3A_82] : memref<256x8192xf32, #tpu.memory_space<vmem>>, vector<256x1024xf32>
    %dot_general3A_84 = arith.constant dense<0.000000e+00> : vector<256x1024xf32>
    %dot_general3A_85 = tpu.matmul %get3A_3, %get3A_83, %dot_general3A_84 {dimension_numbers = #tpu.dot_dimension_numbers<[1], [0], [0], [1], [0, 0, 1, 1], [], []>, transpose_lhs_hint = false} : vector<256x256xf32>, vector<256x1024xf32>, vector<256x1024xf32> -> vector<256x1024xf32>
    %add3A_86 = vector.broadcast %broadcast_in_dim3A : vector<256x1xf32> to vector<256x1024xf32>
    %add3A_87 = arith.addf %add3A_86, %dot_general3A_85 : vector<256x1024xf32>
    %get3A_88 = arith.constant 0 : index
    %get3A_89 = arith.constant 3072 : index
    %get3A_90 = vector.load %arg5[%get3A_88, %get3A_89] : memref<1x8192xf32, #tpu.memory_space<vmem>>, vector<1x1024xf32>
    %add3A_91 = vector.broadcast %get3A_90 : vector<1x1024xf32> to vector<256x1024xf32>
    %add3A_92 = arith.addf %add3A_87, %add3A_91 : vector<256x1024xf32>
    %reduce_min3A_93 = arith.constant dense<0x7F800000> : vector<256xf32>
    %reduce_min3A_94 = vector.multi_reduction <minimumf>, %add3A_92, %reduce_min3A_93 [1] : vector<256x1024xf32> to vector<256xf32>
    %broadcast_in_dim3A_95 = vector.shape_cast %reduce_min3A_94 : vector<256xf32> to vector<256x1xf32>
    %eq3A_96 = vector.broadcast %broadcast_in_dim3A_95 : vector<256x1xf32> to vector<256x1024xf32>
    %eq3A_97 = arith.cmpf oeq, %add3A_92, %eq3A_96 : vector<256x1024xf32>
    %jit3A_98 = arith.constant 0x7F800000 : f32
    %broadcast_in_dim3A_99 = vector.broadcast %jit3A_98 : f32 to vector<256x1024xf32>
    %select_n3A_100 = arith.select %eq3A_97, %convert_element_type3A_5, %broadcast_in_dim3A_99 : vector<256x1024xi1>, vector<256x1024xf32>
    %reduce_min3A_101 = arith.constant dense<0x7F800000> : vector<256xf32>
    %reduce_min3A_102 = vector.multi_reduction <minimumf>, %select_n3A_100, %reduce_min3A_101 [1] : vector<256x1024xf32> to vector<256xf32>
    %add3A_103 = arith.constant 3.072000e+03 : f32
    %add3A_104 = vector.broadcast %add3A_103 : f32 to vector<256xf32>
    %add3A_105 = arith.addf %reduce_min3A_102, %add3A_104 : vector<256xf32>
    %lt3A_106 = arith.cmpf olt, %reduce_min3A_94, %select_n3A_79 : vector<256xf32>
    %select_n3A_107 = arith.select %lt3A_106, %reduce_min3A_94, %select_n3A_79 : vector<256xi1>, vector<256xf32>
    %select_n3A_108 = arith.select %lt3A_106, %add3A_105, %select_n3A_80 : vector<256xi1>, vector<256xf32>
    %get3A_109 = arith.constant 0 : index
    %get3A_110 = arith.constant 4096 : index
    %get3A_111 = vector.load %arg2[%get3A_109, %get3A_110] : memref<256x8192xf32, #tpu.memory_space<vmem>>, vector<256x1024xf32>
    %dot_general3A_112 = arith.constant dense<0.000000e+00> : vector<256x1024xf32>
    %dot_general3A_113 = tpu.matmul %get3A_3, %get3A_111, %dot_general3A_112 {dimension_numbers = #tpu.dot_dimension_numbers<[1], [0], [0], [1], [0, 0, 1, 1], [], []>, transpose_lhs_hint = false} : vector<256x256xf32>, vector<256x1024xf32>, vector<256x1024xf32> -> vector<256x1024xf32>
    %add3A_114 = vector.broadcast %broadcast_in_dim3A : vector<256x1xf32> to vector<256x1024xf32>
    %add3A_115 = arith.addf %add3A_114, %dot_general3A_113 : vector<256x1024xf32>
    %get3A_116 = arith.constant 0 : index
    %get3A_117 = arith.constant 4096 : index
    %get3A_118 = vector.load %arg5[%get3A_116, %get3A_117] : memref<1x8192xf32, #tpu.memory_space<vmem>>, vector<1x1024xf32>
    %add3A_119 = vector.broadcast %get3A_118 : vector<1x1024xf32> to vector<256x1024xf32>
    %add3A_120 = arith.addf %add3A_115, %add3A_119 : vector<256x1024xf32>
    %reduce_min3A_121 = arith.constant dense<0x7F800000> : vector<256xf32>
    %reduce_min3A_122 = vector.multi_reduction <minimumf>, %add3A_120, %reduce_min3A_121 [1] : vector<256x1024xf32> to vector<256xf32>
    %broadcast_in_dim3A_123 = vector.shape_cast %reduce_min3A_122 : vector<256xf32> to vector<256x1xf32>
    %eq3A_124 = vector.broadcast %broadcast_in_dim3A_123 : vector<256x1xf32> to vector<256x1024xf32>
    %eq3A_125 = arith.cmpf oeq, %add3A_120, %eq3A_124 : vector<256x1024xf32>
    %jit3A_126 = arith.constant 0x7F800000 : f32
    %broadcast_in_dim3A_127 = vector.broadcast %jit3A_126 : f32 to vector<256x1024xf32>
    %select_n3A_128 = arith.select %eq3A_125, %convert_element_type3A_5, %broadcast_in_dim3A_127 : vector<256x1024xi1>, vector<256x1024xf32>
    %reduce_min3A_129 = arith.constant dense<0x7F800000> : vector<256xf32>
    %reduce_min3A_130 = vector.multi_reduction <minimumf>, %select_n3A_128, %reduce_min3A_129 [1] : vector<256x1024xf32> to vector<256xf32>
    %add3A_131 = arith.constant 4.096000e+03 : f32
    %add3A_132 = vector.broadcast %add3A_131 : f32 to vector<256xf32>
    %add3A_133 = arith.addf %reduce_min3A_130, %add3A_132 : vector<256xf32>
    %lt3A_134 = arith.cmpf olt, %reduce_min3A_122, %select_n3A_107 : vector<256xf32>
    %select_n3A_135 = arith.select %lt3A_134, %reduce_min3A_122, %select_n3A_107 : vector<256xi1>, vector<256xf32>
    %select_n3A_136 = arith.select %lt3A_134, %add3A_133, %select_n3A_108 : vector<256xi1>, vector<256xf32>
    %get3A_137 = arith.constant 0 : index
    %get3A_138 = arith.constant 5120 : index
    %get3A_139 = vector.load %arg2[%get3A_137, %get3A_138] : memref<256x8192xf32, #tpu.memory_space<vmem>>, vector<256x1024xf32>
    %dot_general3A_140 = arith.constant dense<0.000000e+00> : vector<256x1024xf32>
    %dot_general3A_141 = tpu.matmul %get3A_3, %get3A_139, %dot_general3A_140 {dimension_numbers = #tpu.dot_dimension_numbers<[1], [0], [0], [1], [0, 0, 1, 1], [], []>, transpose_lhs_hint = false} : vector<256x256xf32>, vector<256x1024xf32>, vector<256x1024xf32> -> vector<256x1024xf32>
    %add3A_142 = vector.broadcast %broadcast_in_dim3A : vector<256x1xf32> to vector<256x1024xf32>
    %add3A_143 = arith.addf %add3A_142, %dot_general3A_141 : vector<256x1024xf32>
    %get3A_144 = arith.constant 0 : index
    %get3A_145 = arith.constant 5120 : index
    %get3A_146 = vector.load %arg5[%get3A_144, %get3A_145] : memref<1x8192xf32, #tpu.memory_space<vmem>>, vector<1x1024xf32>
    %add3A_147 = vector.broadcast %get3A_146 : vector<1x1024xf32> to vector<256x1024xf32>
    %add3A_148 = arith.addf %add3A_143, %add3A_147 : vector<256x1024xf32>
    %reduce_min3A_149 = arith.constant dense<0x7F800000> : vector<256xf32>
    %reduce_min3A_150 = vector.multi_reduction <minimumf>, %add3A_148, %reduce_min3A_149 [1] : vector<256x1024xf32> to vector<256xf32>
    %broadcast_in_dim3A_151 = vector.shape_cast %reduce_min3A_150 : vector<256xf32> to vector<256x1xf32>
    %eq3A_152 = vector.broadcast %broadcast_in_dim3A_151 : vector<256x1xf32> to vector<256x1024xf32>
    %eq3A_153 = arith.cmpf oeq, %add3A_148, %eq3A_152 : vector<256x1024xf32>
    %jit3A_154 = arith.constant 0x7F800000 : f32
    %broadcast_in_dim3A_155 = vector.broadcast %jit3A_154 : f32 to vector<256x1024xf32>
    %select_n3A_156 = arith.select %eq3A_153, %convert_element_type3A_5, %broadcast_in_dim3A_155 : vector<256x1024xi1>, vector<256x1024xf32>
    %reduce_min3A_157 = arith.constant dense<0x7F800000> : vector<256xf32>
    %reduce_min3A_158 = vector.multi_reduction <minimumf>, %select_n3A_156, %reduce_min3A_157 [1] : vector<256x1024xf32> to vector<256xf32>
    %add3A_159 = arith.constant 5.120000e+03 : f32
    %add3A_160 = vector.broadcast %add3A_159 : f32 to vector<256xf32>
    %add3A_161 = arith.addf %reduce_min3A_158, %add3A_160 : vector<256xf32>
    %lt3A_162 = arith.cmpf olt, %reduce_min3A_150, %select_n3A_135 : vector<256xf32>
    %select_n3A_163 = arith.select %lt3A_162, %reduce_min3A_150, %select_n3A_135 : vector<256xi1>, vector<256xf32>
    %select_n3A_164 = arith.select %lt3A_162, %add3A_161, %select_n3A_136 : vector<256xi1>, vector<256xf32>
    %get3A_165 = arith.constant 0 : index
    %get3A_166 = arith.constant 6144 : index
    %get3A_167 = vector.load %arg2[%get3A_165, %get3A_166] : memref<256x8192xf32, #tpu.memory_space<vmem>>, vector<256x1024xf32>
    %dot_general3A_168 = arith.constant dense<0.000000e+00> : vector<256x1024xf32>
    %dot_general3A_169 = tpu.matmul %get3A_3, %get3A_167, %dot_general3A_168 {dimension_numbers = #tpu.dot_dimension_numbers<[1], [0], [0], [1], [0, 0, 1, 1], [], []>, transpose_lhs_hint = false} : vector<256x256xf32>, vector<256x1024xf32>, vector<256x1024xf32> -> vector<256x1024xf32>
    %add3A_170 = vector.broadcast %broadcast_in_dim3A : vector<256x1xf32> to vector<256x1024xf32>
    %add3A_171 = arith.addf %add3A_170, %dot_general3A_169 : vector<256x1024xf32>
    %get3A_172 = arith.constant 0 : index
    %get3A_173 = arith.constant 6144 : index
    %get3A_174 = vector.load %arg5[%get3A_172, %get3A_173] : memref<1x8192xf32, #tpu.memory_space<vmem>>, vector<1x1024xf32>
    %add3A_175 = vector.broadcast %get3A_174 : vector<1x1024xf32> to vector<256x1024xf32>
    %add3A_176 = arith.addf %add3A_171, %add3A_175 : vector<256x1024xf32>
    %reduce_min3A_177 = arith.constant dense<0x7F800000> : vector<256xf32>
    %reduce_min3A_178 = vector.multi_reduction <minimumf>, %add3A_176, %reduce_min3A_177 [1] : vector<256x1024xf32> to vector<256xf32>
    %broadcast_in_dim3A_179 = vector.shape_cast %reduce_min3A_178 : vector<256xf32> to vector<256x1xf32>
    %eq3A_180 = vector.broadcast %broadcast_in_dim3A_179 : vector<256x1xf32> to vector<256x1024xf32>
    %eq3A_181 = arith.cmpf oeq, %add3A_176, %eq3A_180 : vector<256x1024xf32>
    %jit3A_182 = arith.constant 0x7F800000 : f32
    %broadcast_in_dim3A_183 = vector.broadcast %jit3A_182 : f32 to vector<256x1024xf32>
    %select_n3A_184 = arith.select %eq3A_181, %convert_element_type3A_5, %broadcast_in_dim3A_183 : vector<256x1024xi1>, vector<256x1024xf32>
    %reduce_min3A_185 = arith.constant dense<0x7F800000> : vector<256xf32>
    %reduce_min3A_186 = vector.multi_reduction <minimumf>, %select_n3A_184, %reduce_min3A_185 [1] : vector<256x1024xf32> to vector<256xf32>
    %add3A_187 = arith.constant 6.144000e+03 : f32
    %add3A_188 = vector.broadcast %add3A_187 : f32 to vector<256xf32>
    %add3A_189 = arith.addf %reduce_min3A_186, %add3A_188 : vector<256xf32>
    %lt3A_190 = arith.cmpf olt, %reduce_min3A_178, %select_n3A_163 : vector<256xf32>
    %select_n3A_191 = arith.select %lt3A_190, %reduce_min3A_178, %select_n3A_163 : vector<256xi1>, vector<256xf32>
    %select_n3A_192 = arith.select %lt3A_190, %add3A_189, %select_n3A_164 : vector<256xi1>, vector<256xf32>
    %get3A_193 = arith.constant 0 : index
    %get3A_194 = arith.constant 7168 : index
    %get3A_195 = vector.load %arg2[%get3A_193, %get3A_194] : memref<256x8192xf32, #tpu.memory_space<vmem>>, vector<256x1024xf32>
    %dot_general3A_196 = arith.constant dense<0.000000e+00> : vector<256x1024xf32>
    %dot_general3A_197 = tpu.matmul %get3A_3, %get3A_195, %dot_general3A_196 {dimension_numbers = #tpu.dot_dimension_numbers<[1], [0], [0], [1], [0, 0, 1, 1], [], []>, transpose_lhs_hint = false} : vector<256x256xf32>, vector<256x1024xf32>, vector<256x1024xf32> -> vector<256x1024xf32>
    %add3A_198 = vector.broadcast %broadcast_in_dim3A : vector<256x1xf32> to vector<256x1024xf32>
    %add3A_199 = arith.addf %add3A_198, %dot_general3A_197 : vector<256x1024xf32>
    %get3A_200 = arith.constant 0 : index
    %get3A_201 = arith.constant 7168 : index
    %get3A_202 = vector.load %arg5[%get3A_200, %get3A_201] : memref<1x8192xf32, #tpu.memory_space<vmem>>, vector<1x1024xf32>
    %add3A_203 = vector.broadcast %get3A_202 : vector<1x1024xf32> to vector<256x1024xf32>
    %add3A_204 = arith.addf %add3A_199, %add3A_203 : vector<256x1024xf32>
    %reduce_min3A_205 = arith.constant dense<0x7F800000> : vector<256xf32>
    %reduce_min3A_206 = vector.multi_reduction <minimumf>, %add3A_204, %reduce_min3A_205 [1] : vector<256x1024xf32> to vector<256xf32>
    %broadcast_in_dim3A_207 = vector.shape_cast %reduce_min3A_206 : vector<256xf32> to vector<256x1xf32>
    %eq3A_208 = vector.broadcast %broadcast_in_dim3A_207 : vector<256x1xf32> to vector<256x1024xf32>
    %eq3A_209 = arith.cmpf oeq, %add3A_204, %eq3A_208 : vector<256x1024xf32>
    %jit3A_210 = arith.constant 0x7F800000 : f32
    %broadcast_in_dim3A_211 = vector.broadcast %jit3A_210 : f32 to vector<256x1024xf32>
    %select_n3A_212 = arith.select %eq3A_209, %convert_element_type3A_5, %broadcast_in_dim3A_211 : vector<256x1024xi1>, vector<256x1024xf32>
    %reduce_min3A_213 = arith.constant dense<0x7F800000> : vector<256xf32>
    %reduce_min3A_214 = vector.multi_reduction <minimumf>, %select_n3A_212, %reduce_min3A_213 [1] : vector<256x1024xf32> to vector<256xf32>
    %add3A_215 = arith.constant 7.168000e+03 : f32
    %add3A_216 = vector.broadcast %add3A_215 : f32 to vector<256xf32>
    %add3A_217 = arith.addf %reduce_min3A_214, %add3A_216 : vector<256xf32>
    %lt3A_218 = arith.cmpf olt, %reduce_min3A_206, %select_n3A_191 : vector<256xf32>
    %select_n3A_219 = arith.select %lt3A_218, %reduce_min3A_206, %select_n3A_191 : vector<256xi1>, vector<256xf32>
    %select_n3A_220 = arith.select %lt3A_218, %add3A_217, %select_n3A_192 : vector<256xi1>, vector<256xf32>
    %convert_element_type3A_221 = arith.fptosi %select_n3A_220 : vector<256xf32> to vector<256xi32>
    %swap3A = arith.constant 0 : index
    %swap3A_222 = vector.load %arg3[%swap3A] : memref<256xi32, #tpu.memory_space<vmem>>, vector<256xi32>
    tpu.vector_store %arg3[%swap3A], %convert_element_type3A_221 {strides = array<i32>} : memref<256xi32, #tpu.memory_space<vmem>>, vector<256xi32>,
    %get3A_223 = arith.constant 0 : index
    %get3A_224 = arith.constant 0 : index
    %get3A_225 = memref.load %arg4[%get3A_223, %get3A_224] : memref<1x1xf32, #tpu.memory_space<smem>>
    %reduce_sum3A_226 = vector.shape_cast %select_n3A_219 : vector<256xf32> to vector<1x256xf32>
    %reduce_sum3A_227 = arith.constant dense<0.000000e+00> : vector<1xf32>
    %reduce_sum3A_228 = vector.multi_reduction <add>, %reduce_sum3A_226, %reduce_sum3A_227 [1] : vector<1x256xf32> to vector<1xf32>
    %reduce_sum3A_229 = vector.shape_cast %reduce_sum3A_228 : vector<1xf32> to vector<1x1xf32>
    %reduce_sum3A_230 = vector.extract %reduce_sum3A_229[0, 0] : f32 from vector<1x1xf32>
    %add3A_231 = arith.addf %get3A_225, %reduce_sum3A_230 : f32
    %swap3A_232 = arith.constant 0 : index
    %swap3A_233 = arith.constant 0 : index
    %swap3A_234 = memref.load %arg4[%swap3A_232, %swap3A_233] : memref<1x1xf32, #tpu.memory_space<smem>>
    memref.store %add3A_231, %arg4[%swap3A_232, %swap3A_233] : memref<1x1xf32, #tpu.memory_space<smem>>
    return
  }
  func.func @transform_0(%arg0: i32) -> (i32, i32) {
    %c0_i32 = arith.constant 0 : i32
    %c0_i32_0 = arith.constant 0 : i32
    return %arg0, %c0_i32 : i32, i32
  }
  func.func @transform_1(%arg0: i32) -> (i32, i32) {
    %c0_i32 = arith.constant 0 : i32
    %c0_i32_0 = arith.constant 0 : i32
    %c0_i32_1 = arith.constant 0 : i32
    return %c0_i32, %c0_i32_0 : i32, i32
  }
  func.func @transform_2(%arg0: i32) -> i32 {
    %c0_i32 = arith.constant 0 : i32
    return %arg0 : i32
  }
  func.func @transform_3(%arg0: i32) -> (i32, i32) {
    %c0_i32 = arith.constant 0 : i32
    %c0_i32_0 = arith.constant 0 : i32
    %c0_i32_1 = arith.constant 0 : i32
    return %c0_i32, %c0_i32_0 : i32, i32
  }
}

module attributes {stable_mosaic.version = 14 : i64} {
  func.func @_dec_body(%arg0: i32, %arg1: memref<1024x256xf32, #tpu.memory_space<vmem>>, %arg2: memref<256x512xf32, #tpu.memory_space<vmem>>, %arg3: memref<1x512xf32, #tpu.memory_space<vmem>>, %arg4: memref<512x256xf32, #tpu.memory_space<vmem>>, %arg5: memref<1x256xf32, #tpu.memory_space<vmem>>, %arg6: memref<1024x256xf32, #tpu.memory_space<vmem>>) attributes {dimension_semantics = [#tpu.dimension_semantics<arbitrary>], iteration_bounds = array<i64: 8>, scalar_prefetch = 0 : i64, scratch_operands = 0 : i64, tpu.core_type = #tpu.core_type<tc>, window_params = [{transform_indices = @transform_0, window_bounds = array<i64: 1024, 256>}, {pipeline_mode = #tpu.pipeline_mode<synchronous>, transform_indices = @transform_1, window_bounds = array<i64: 256, 512>}, {pipeline_mode = #tpu.pipeline_mode<synchronous>, transform_indices = @transform_2, window_bounds = array<i64: 1, 512>}, {pipeline_mode = #tpu.pipeline_mode<synchronous>, transform_indices = @transform_3, window_bounds = array<i64: 512, 256>}, {pipeline_mode = #tpu.pipeline_mode<synchronous>, transform_indices = @transform_4, window_bounds = array<i64: 1, 256>}, {transform_indices = @transform_5, window_bounds = array<i64: 1024, 256>}]} {
    %get3A = arith.constant 0 : index
    %get3A_0 = arith.constant 0 : index
    %get3A_1 = vector.load %arg1[%get3A, %get3A_0] : memref<1024x256xf32, #tpu.memory_space<vmem>>, vector<1024x256xf32>
    %get3A_2 = arith.constant 0 : index
    %get3A_3 = arith.constant 0 : index
    %get3A_4 = vector.load %arg2[%get3A_2, %get3A_3] : memref<256x512xf32, #tpu.memory_space<vmem>>, vector<256x512xf32>
    %dot_general3A = arith.constant dense<0.000000e+00> : vector<1024x512xf32>
    %dot_general3A_5 = tpu.matmul %get3A_1, %get3A_4, %dot_general3A {dimension_numbers = #tpu.dot_dimension_numbers<[1], [0], [0], [1], [0, 0, 1, 1], [], []>, transpose_lhs_hint = false} : vector<1024x256xf32>, vector<256x512xf32>, vector<1024x512xf32> -> vector<1024x512xf32>
    %get3A_6 = arith.constant 0 : index
    %get3A_7 = arith.constant 0 : index
    %get3A_8 = vector.load %arg3[%get3A_6, %get3A_7] : memref<1x512xf32, #tpu.memory_space<vmem>>, vector<1x512xf32>
    %add3A = vector.broadcast %get3A_8 : vector<1x512xf32> to vector<1024x512xf32>
    %add3A_9 = arith.addf %dot_general3A_5, %add3A : vector<1024x512xf32>
    %max3A = arith.constant 0.000000e+00 : f32
    %max3A_10 = vector.broadcast %max3A : f32 to vector<1024x512xf32>
    %max3A_11 = arith.maximumf %add3A_9, %max3A_10 : vector<1024x512xf32>
    %get3A_12 = arith.constant 0 : index
    %get3A_13 = arith.constant 0 : index
    %get3A_14 = vector.load %arg4[%get3A_12, %get3A_13] : memref<512x256xf32, #tpu.memory_space<vmem>>, vector<512x256xf32>
    %dot_general3A_15 = arith.constant dense<0.000000e+00> : vector<1024x256xf32>
    %dot_general3A_16 = tpu.matmul %max3A_11, %get3A_14, %dot_general3A_15 {dimension_numbers = #tpu.dot_dimension_numbers<[1], [0], [0], [1], [0, 0, 1, 1], [], []>, transpose_lhs_hint = false} : vector<1024x512xf32>, vector<512x256xf32>, vector<1024x256xf32> -> vector<1024x256xf32>
    %get3A_17 = arith.constant 0 : index
    %get3A_18 = arith.constant 0 : index
    %get3A_19 = vector.load %arg5[%get3A_17, %get3A_18] : memref<1x256xf32, #tpu.memory_space<vmem>>, vector<1x256xf32>
    %add3A_20 = vector.broadcast %get3A_19 : vector<1x256xf32> to vector<1024x256xf32>
    %add3A_21 = arith.addf %dot_general3A_16, %add3A_20 : vector<1024x256xf32>
    %swap3A = arith.constant 0 : index
    %swap3A_22 = arith.constant 0 : index
    %swap3A_23 = vector.load %arg6[%swap3A, %swap3A_22] : memref<1024x256xf32, #tpu.memory_space<vmem>>, vector<1024x256xf32>
    tpu.vector_store %arg6[%swap3A, %swap3A_22], %add3A_21 {strides = array<i32>} : memref<1024x256xf32, #tpu.memory_space<vmem>>, vector<1024x256xf32>,
    return
  }
  func.func @transform_0(%arg0: i32) -> (i32, i32) {
    %c0_i32 = arith.constant 0 : i32
    %c0_i32_0 = arith.constant 0 : i32
    return %arg0, %c0_i32 : i32, i32
  }
  func.func @transform_1(%arg0: i32) -> (i32, i32) {
    %c0_i32 = arith.constant 0 : i32
    %c0_i32_0 = arith.constant 0 : i32
    %c0_i32_1 = arith.constant 0 : i32
    return %c0_i32, %c0_i32_0 : i32, i32
  }
  func.func @transform_2(%arg0: i32) -> (i32, i32) {
    %c0_i32 = arith.constant 0 : i32
    %c0_i32_0 = arith.constant 0 : i32
    %c0_i32_1 = arith.constant 0 : i32
    return %c0_i32, %c0_i32_0 : i32, i32
  }
  func.func @transform_3(%arg0: i32) -> (i32, i32) {
    %c0_i32 = arith.constant 0 : i32
    %c0_i32_0 = arith.constant 0 : i32
    %c0_i32_1 = arith.constant 0 : i32
    return %c0_i32, %c0_i32_0 : i32, i32
  }
  func.func @transform_4(%arg0: i32) -> (i32, i32) {
    %c0_i32 = arith.constant 0 : i32
    %c0_i32_0 = arith.constant 0 : i32
    %c0_i32_1 = arith.constant 0 : i32
    return %c0_i32, %c0_i32_0 : i32, i32
  }
  func.func @transform_5(%arg0: i32) -> (i32, i32) {
    %c0_i32 = arith.constant 0 : i32
    %c0_i32_0 = arith.constant 0 : i32
    return %arg0, %c0_i32 : i32, i32
  }
}

</mosaic_0001>

<sc_bundles>
// kernel: kernel.5.cloned.1.call-start
scs
__scs_entry_jumppad:
0x0: {  	(pc) =	sbr.rel $0x88, $3  }
0x1: {  	(tag) =	ssettag $0x0;
	lr =	simm.s32 $0x1  }
0x2: {  	[smem:$0x3F9B] =	sst lr;
	_ =	strace $0xD0000000  }
0x3: {  	_ = 	snop  }
0x4: {  	_ = 	snop  }
0x5: {  	_ = 	snop  }
0x6: {  	_ = 	snop  }
0x7: {  	_ = 	snop  }
__scs_overlays_trampoline_lowered:
0x8: {  	[smem:$0x3FAA] =	sst s0  }
0x9: {  	[smem:$0x3FAB] =	sst s1  }
0xa: {  	[smem:$0x3FAC] =	sst s2  }
0xb: {  	[smem:$0x3FAD] =	sst s3  }
0xc: {  	[smem:$0x3FAE] =	sst s4  }
0xd: {  	[smem:$0x3FAF] =	sst s5  }
0xe: {  	[smem:$0x3FB0] =	sst s6  }
0xf: {  	[smem:$0x3FB1] =	sst s7  }
0x10: {  	[smem:$0x3FB2] =	sst s8  }
0x11: {  	[smem:$0x3FB3] =	sst s9;
	s0 =	simm.s32 @!p0 $0x0  }
0x12: {  	s1 =	sld [smem:$0x3F99];
	s0 =	simm.s32 @p0 $0x1  }
0x13: {  	[smem:$0x3FB4] =	sst s0;
	s0 =	simm.s32 @!p1 $0x0  }
0x14: {  	s2 =	sld [smem:$0x3F98];
	s0 =	simm.s32 @p1 $0x1  }
0x15: {  	[smem:$0x3FB5] =	sst s0;
	s0 =	simm.s32 @!p2 $0x0  }
0x16: {  	s3 =	sld [smem:$0x3FDB];
	s0 =	simm.s32 @p2 $0x1  }
0x17: {  	s4 =	simm.s32 $0x1BF5;
	[smem:$0x3FB7] =	sst s0  }
0x18: {  	s0 =	sld [smem:$0x3F9A];
	_ =	swait.ge [sflag:s4], $0x0  }
0x19: {  	s7 =	sld [smem:$0x3F9B]  }
0x1a: {  	s8 =	sadd.s32 $0xFFFFE003, lr  }
0x1b: {  	s9 =	sadd.s32 $0xFFFFFEF7, lr;
	s5 =	simm.s32 $0xFFFFFFFF;
	p2 =	slt.u32 s8, $0xFFFFF086  }
0x1c: {  	p1 =	slt.u32 s9, $0xF7A;
	s5 =	simm.s32 @!p2 $0x0  }
0x1d: {  	s5 =	simm.s32 @p1 $0x1;
	p0 =	seq.s32 s7, s2  }
0x1e: {  	s7 =	smul.u32 @!p0 $0xF7A, s2;
	p2 =	seq.s32 @!p0 s5, $0x0  }
0x1f: {  	s9 =	smul.u32 $0xF7A, s1;
	s8 =	simm.s32 @!p0 $0x1BF5;
	p2 =	por !p2, p0  }
0x20: {  	[sflag:s8] =	ssyncset.s32 @!p0 $0xFFFFF086;
	s6 =	sadd.s32 @!p0 s3, s7;
	s7 =	simm.s32 @!p0 $0x108  }
0x21: {  	s3 =	sadd.s32 s3, s9;
	s6 =	sadd.s32 @!p0 $0x88, s6;
	s7 =	simm.s32 @p2 $0x1082  }
0x22: {  	[simem:s7], [sflag:s8] =	dma.local @!p0 [hbm:s6], $0xF7A  }
0x23: {  	s9 =	sor.u32 $0xD0000000, s2;
	s6 =	simm.s32 $0x108;
	_ =	swait.ge @!p0 [sflag:s8], $0x0  }
0x24: {  	s3 =	sadd.s32 $0x88, s3;
	s6 =	simm.s32 @!p1 $0x1082;
	[sflag:s4] =	ssyncset.s32 $0xFFFFF086  }
0x25: {  	[simem:s6], [sflag:s4] =	dma.local [hbm:s3], $0xF7A  }
0x26: {  	[smem:$0x3F9B] =	sst s1;
	(tag) =	ssettag s2;
	_ =	strace s9  }
0x27: {  	s1 =	sld [smem:$0x3FAB]  }
0x28: {  	s2 =	sld [smem:$0x3FAC]  }
0x29: {  	s4 =	sld [smem:$0x3FAE]  }
0x2a: {  	p0 =	seq.s32 s5, $0x0;
	s5 =	sld [smem:$0x3FAF]  }
0x2b: {  	s6 =	sld [smem:$0x3FB0]  }
0x2c: {  	s7 =	sld [smem:$0x3FB1]  }
0x2d: {  	s3 =	simm.s32 $0x108;
	s8 =	sld [smem:$0x3FB2]  }
0x2e: {  	s3 =	simm.s32 @!p0 $0x1082;
	s9 =	sld [smem:$0x3FB3]  }
0x2f: {  	lr =	sadd.s32 s0, s3;
	s0 =	sld [smem:$0x3FAA]  }
0x30: {  	s3 =	sld [smem:$0x3FAD]  }
0x31: {  	[smem:$0x3FB6] =	sst s10  }
0x32: {  	s10 =	sld [smem:$0x3FB4];
	_ =	sdelay $0x3  }
0x33: {  	p0 =	seq.s32 s10, $0x1;
	s10 =	sld [smem:$0x3FB6];
	_ =	sdelay $0x3  }
0x34: {  	[smem:$0x3FB6] =	sst s10  }
0x35: {  	s10 =	sld [smem:$0x3FB5];
	_ =	sdelay $0x3  }
0x36: {  	p1 =	seq.s32 s10, $0x1;
	s10 =	sld [smem:$0x3FB6];
	_ =	sdelay $0x3  }
0x37: {  	[smem:$0x3FB6] =	sst s10  }
0x38: {  	s10 =	sld [smem:$0x3FB7]  }
0x39: {  	_ = 	snop;
	(pc) =	sbr.ind lr, $3  }
0x3a: {  	_ = 	snop  }
0x3b: {  	_ = 	snop  }
0x3c: {  	p2 =	seq.s32 s10, $0x1;
	s10 =	sld [smem:$0x3FB6]  }
0x3d: {  	_ =	shalt  }
0x3e: {  	_ =	shalt  }
0x3f: {  	_ =	shalt  }
0x40: {  	_ =	shalt  }
0x41: {  	_ =	shalt  }
0x42: {  	_ =	shalt  }
0x43: {  	_ =	shalt  }
0x44: {  	_ =	shalt  }
0x45: {  	_ =	shalt  }
0x46: {  	_ =	shalt  }
0x47: {  	_ =	shalt  }
0x48: {  	_ =	shalt  }
0x49: {  	_ =	shalt  }
0x4a: {  	_ =	shalt  }
0x4b: {  	_ =	shalt  }
0x4c: {  	_ =	shalt  }
0x4d: {  	_ =	shalt  }
0x4e: {  	_ =	shalt  }
0x4f: {  	_ =	shalt  }
0x50: {  	_ =	shalt  }
0x51: {  	_ =	shalt  }
0x52: {  	_ =	shalt  }
0x53: {  	_ =	shalt  }
0x54: {  	_ =	shalt  }
0x55: {  	_ =	shalt  }
0x56: {  	_ =	shalt  }
0x57: {  	_ =	shalt  }
0x58: {  	_ =	shalt  }
0x59: {  	_ =	shalt  }
0x5a: {  	_ =	shalt  }
0x5b: {  	_ =	shalt  }
0x5c: {  	_ =	shalt  }
0x5d: {  	_ =	shalt  }
0x5e: {  	_ =	shalt  }
0x5f: {  	_ =	shalt  }
0x60: {  	_ =	shalt  }
0x61: {  	_ =	shalt  }
0x62: {  	_ =	shalt  }
0x63: {  	_ =	shalt  }
0x64: {  	_ =	shalt  }
0x65: {  	_ =	shalt  }
0x66: {  	_ =	shalt  }
0x67: {  	_ =	shalt  }
0x68: {  	_ =	shalt  }
0x69: {  	_ =	shalt  }
0x6a: {  	_ =	shalt  }
0x6b: {  	_ =	shalt  }
0x6c: {  	_ =	shalt  }
0x6d: {  	_ =	shalt  }
0x6e: {  	_ =	shalt  }
0x6f: {  	_ =	shalt  }
0x70: {  	_ =	shalt  }
0x71: {  	_ =	shalt  }
0x72: {  	_ =	shalt  }
0x73: {  	_ =	shalt  }
0x74: {  	_ =	shalt  }
0x75: {  	_ =	shalt  }
0x76: {  	_ =	shalt  }
0x77: {  	_ =	shalt  }
0x78: {  	_ =	shalt  }
0x79: {  	_ =	shalt  }
0x7a: {  	_ =	shalt  }
0x7b: {  	_ =	shalt  }
0x7c: {  	_ =	shalt  }
0x7d: {  	_ =	shalt  }
0x7e: {  	_ =	shalt  }
0x7f: {  	_ =	shalt  }
0x80: {  	_ =	shalt  }
0x81: {  	_ =	shalt  }
0x82: {  	_ =	shalt  }
0x83: {  	_ =	shalt  }
0x84: {  	_ =	shalt  }
0x85: {  	_ =	shalt  }
0x86: {  	_ =	shalt  }
0x87: {  	_ =	shalt  }
.Lfunc_end0:
.L_simem_size_0:
called_computation_lowered:
.L_overlay_start_0:
0x88: {  	s2 =	sld [smem:$0x3FD9]  }
0x89: {  	s3 =	sld [smem:$0x3FFE];
	_ =	sdelay $0x1  }
0x8a: {  	s1 =	srdreg.scid  }
0x8b: {  	s0 =	sand.u32 $0x1, s1  }
0x8c: {  	s14 =	sshll.u32 s0, $0xA;
	s2 =	sadd.s32 s3, s2  }
0x8d: {  	s2 =	sadd.s32 s2, s14  }
0x8e: {  	[smem:$0x3FC2] =	sst s2  }
0x8f: {  	_ = 	snop  }
0x90: {  	s2 =	sld [smem:$0x3FD0];
	_ =	sdelay $0x2  }
0x91: {  	s15 =	simm.s32 $0xA;
	s4 =	simm.s32 $0x10  }
0x92: {  	[smem:s4], [sflag:s15] =	dma.local [hbm:s2], $0x1  }
0x93: {  	_ =	swait.eq [sflag:s15], $0x1  }
0x94: {  	[sflag:s15] =	ssyncset.done $0x0  }
0x95: {  	[sflag:s15] =	ssyncadd.s32 $0xFFFFFFFF  }
0x96: {  	s16 =	sld [smem:$0x10];
	(tm) =	ssettm $0x1  }
0x97: {  	s17 =	sld [smem:$0x3FFB];
	_ =	sdelay $0x3  }
0x98: {  	_ =	strace s17  }
0x99: {  	s3 =	sld [smem:$0x3FFC];
	_ =	sdelay $0x3  }
0x9a: {  	_ =	strace s3  }
0x9b: {  	s3 =	sld [smem:$0x3FFD];
	_ =	sdelay $0x3  }
0x9c: {  	_ =	strace s3  }
0x9d: {  	_ =	strace $0x8FFFFFFF  }
0x9e: {  	s18 =	sld [smem:$0x3FDB];
	_ =	sdelay $0x1  }
0x9f: {  	s19 =	simm.s32 $_scs_section_size  }
0xa0: {  	s5 =	simm.s32 $_size__tile_overlayer_lowered;
	s6 =	simm.s32 $_tile_overlayer_lowered  }
0xa1: {  	s22 =	simm.s32 $0x1BFF;
	s21 =	sshll.u32 s6, $0x1;
	s3 =	sadd.s32 s19, s18  }
0xa2: {  	s7 =	simm.s32 $0x0;
	s20 =	sshll.u32 s5, $0x1;
	s5 =	sadd.s32 s21, s3  }
0xa3: {  	[timem:s7], [sflag:s22] =	dma.local [hbm:s5], s20  }
0xa4: {  	_ =	swait.ge [sflag:s22], s20  }
0xa5: {  	s4 =	ssub.s32 $0x0, s20;
	[sflag:s22] =	ssyncset.done $0x0  }
0xa6: {  	[sflag:s22] =	ssyncadd.s32 s4;
	_ =	sdelay $0x1  }
0xa7: {  	s23 =	simm.s32 $0x1B8B  }
0xa8: {  	_ =	swait.ge [sflag:s23], $0x1  }
0xa9: {  	[sflag:s23] =	ssyncset.done $0x0  }
0xaa: {  	s25 =	simm.s32 $0x1B8E;
	s24 =	sld [smem:$0x3FFE];
	[sflag:s23] =	ssyncadd.s32 $0xFFFFFFFF  }
0xab: {  	s26 =	simm.s32 $execute0_lowered;
	[smem:$0x3FD2] =	sst s25  }
0xac: {  	s5 =	sshll.u32 s26, $0x1;
	_ =	strace $0x80000046;
	[dreg:$0x1] =	wrdreg $0xFFFFFFFF  }
0xad: {  	s28 =	simm.s32 $_size_execute0_lowered;
	s3 =	sadd.s32 s3, s5;
	[dreg:$0x0] =	wrdreg $0x0  }
0xae: {  	s5 =	sshll.u32 s28, $0x1;
	[dreg:$0x2] =	wrdreg s3  }
0xaf: {  	[dreg:$0x3] =	wrdreg s5  }
0xb0: {  	[dreg:$0x4] =	wrdreg $0xC0  }
0xb1: {  	_ =	task [dreg:s7], $0x5FFFF  }
0xb2: {  	[dreg:$0x1] =	wrdreg $0xFFFFFFFF  }
0xb3: {  	[dreg:$0x0] =	wrdreg $0x60  }
0xb4: {  	[dreg:$0x2] =	wrdreg s24  }
0xb5: {  	[dreg:$0x3] =	wrdreg s16  }
0xb6: {  	[dreg:$0x4] =	wrdreg $0x9  }
0xb7: {  	_ =	task.clear_ibuf [dreg:s7], $0x5FFFF;
	_ =	strace $0x90000046  }
0xb8: {  	s29 =	simm.s32 $0x9;
	_ =	strace $0x80000048  }
0xb9: {  	_ =	swait.ge [sflag:s29], $0x1  }
0xba: {  	[sflag:s29] =	ssyncadd.s32 $0xFFFFFFFF  }
0xbb: {  	_ =	strace $0x90000048  }
0xbc: {  	_ =	sfence  }
0xbd: {  	s30 =	sld [smem:$0x0];
	_ =	sdelay $0x2  }
0xbe: {  	s31 =	sshll.u32 s1, $0xD;
	s1 =	sshrl.u32 s1, $0x2  }
0xbf: {  	s3 =	sand.u32 $0x4000, s31;
	s1 =	sadd.s32 s1, s30  }
0xc0: {  	s0 =	sor.u32 s3, s0;
	s1 =	sshll.u32 s1, $0x11  }
0xc1: {  	s0 =	sor.u32 s1, s0  }
0xc2: {  	s0 =	sadd.s32 $0x8F2B, s0  }
0xc3: {  	[sflag:s0] =	ssyncadd.remote.s32 $0x1  }
0xc4: {  	_ =	sfence.sel $0xFFFF  }
0xc5: {  	[dreg:$0x0] =	wrdreg $0xFFFFFFFF;
	(pc) =	sbr.abs _section_cstart, $3  }
0xc6: {  	[dreg:$0x1] =	wrdreg $0xFFFFFFFF  }
0xc7: {  	_ =	task.clear_ibuf [dreg:s7], $0x2FFFF;
	_ =	strace $0x9FFFFFFF  }
0xc8: {  	(tm) =	ssettm $0x7FFFFFFF  }
0xc9: {  	_ =	shalt  }
tec
execute0_lowered:
.L_overlay_start_1:
0x0: {  	(tag) =	ssettag $0x1  }
0x1: {  	s4 =	rddreg [dreg:$0x0]  }
0x2: {  	s5 =	rddreg [dreg:$0x1]  }
0x3: {  	s0 =	rddreg [dreg:$0x2];
	s3 =	srdreg.scid  }
0x4: {  	s2 =	simm.s32 $0x0;
	s1 =	stileid.u32;
	s10 =	simm.s32 $0x1080  }
0x5: {  	s11 =	simm.s32 $0x1880;
	s12 =	simm.s32 $0x2080;
	s13 =	simm.s32 $0x2880  }
0x6: {  	s14 =	simm.s32 $0x3080;
	s15 =	simm.s32 $0x3880;
	s16 =	simm.s32 $0x4080  }
0x7: {  	s17 =	simm.s32 $0x4880;
	s18 =	simm.s32 $0x5080;
	s19 =	simm.s32 $0x5880  }
0x8: {  	s20 =	simm.s32 $0x6080;
	s21 =	simm.s32 $0x6880;
	s22 =	simm.s32 $0x7080  }
0x9: {  	s23 =	simm.s32 $0x7880;
	s24 =	simm.s32 $0x1;
	s25 =	simm.s32 $0x0  }
0xa: {  	s6 =	sand.u32 $0x1, s3;
	[smem:$0x7FF] =	sst s2;
	s29 =	sshll.u32 s1, $0xB  }
0xb: {  	s3 =	sadd.s32 $0x2C00, s4;
	s31 =	sshll.u32 s1, $0x10;
	s7 =	sshll.u32 s6, $0xA  }
0xc: {  	_ =	strace $0x80000047;
	s8 =	ssub.s32 $0x2, s6;
	s5 =	sadd.s32 s31, s5  }
0xd: {  	s6 =	sshll.u32 s6, $0xF;
	s7 =	sor.u32 s7, s29;
	s9 =	sshrl.u32 s8, $0x1  }
0xe: {  	v2 =	vlaneseq.u32;
	s5 =	sadd.s32 s6, s5;
	s7 =	sshrl.u32 s7, $0x3;
	s30 =	ssub.s32 s8, s9  }
0xf: {  	vm0 =	vmmov $0xffff;
	v1 =	vshrl.u32 v2, $0x3;
	s8 =	simm.s32 $0x80;
	s9 =	simm.s32 $0x880;
	s7 =	sadd.s32 s7, s4  }
0x10: {  	v0 =	vand.u32 $0x7, v2;
	v2 =	vor.u32 $0x8, v2;
	v1 =	vmul.u32 $0x8, v1;
	s4 =	smax.u32 s30, $0x1;
	s6 =	sadd.s32 $0x1C00, s7;
	s7 =	simm.s32 $0x2  }
.LBB2_1:
0x11: {  	s26 =	smov.u32 s5;
	s28 =	simm.s32 $0x0  }
.LBB2_2:
0x12: {  	s29 =	sadd.s32 s28, s6  }
0x13: {  	[tilespmem:s2], [sflag:$0x2] =	stream.linear.gather [hbm4b:s29+s2], $0x80, $0x38;
	[tilespmem:$0x8080] =	vst v63  }
0x14: {  	_ =	swait.ge [sflag:s7], $0x80  }
0x15: {  	[sflag:s7] =	ssyncset.done $0x0  }
0x16: {  	[sflag:s7] =	ssyncadd.s32 $0xFFFFFF80  }
0x17: {  	v3 =	vld [tilespmem:$0x0];
	_ =	sdelay $0x4  }
0x18: {  	v4 =	vshll.u32 v3, $0x1  }
0x19: {  	v3 =	vand.u32 $0x7, v3;
	v4 =	vand.u32 $0xFFFFFFF0, v4  }
0x1a: {  	v3 =	vor.u32 v3, v4  }
0x1b: {  	v4 =	vperm.xlane v3, v0;
	_ =	sdelay $0x1  }
0x1c: {  	v3 =	vperm.xlane v3, v2;
	v4 =	vadd.s32 v1, v4;
	_ =	sdelay $0x1  }
0x1d: {  	v3 =	vadd.s32 v1, v3;
	_ =	sdelay $0x2  }
0x1e: {  	[tilespmem:s8], [sflag:$0x1] =	stream.indirect_vreg.gather [hbm4b:s3+s2], $0x80, v4, vm0, $0xb8;
	[tilespmem:$0x8080] =	vst v63  }
0x1f: {  	_ = 	snop  }
0x20: {  	[tilespmem:s9], [sflag:$0x1] =	stream.indirect_vreg.gather [hbm4b:s3+s2], $0x80, v3, vm0, $0xb8;
	[tilespmem:$0x8080] =	vst v63  }
0x21: {  	v3 =	vld [tilespmem:$0x10];
	_ =	sdelay $0x4  }
0x22: {  	v57 =	vshll.u32 v3, $0x1  }
0x23: {  	v3 =	vand.u32 $0x7, v3;
	v4 =	vand.u32 $0xFFFFFFF0, v57  }
0x24: {  	v3 =	vor.u32 v3, v4  }
0x25: {  	v4 =	vperm.xlane v3, v0;
	_ =	sdelay $0x1  }
0x26: {  	v3 =	vperm.xlane v3, v2;
	v4 =	vadd.s32 v1, v4;
	_ =	sdelay $0x1  }
0x27: {  	v3 =	vadd.s32 v1, v3;
	_ =	sdelay $0x2  }
0x28: {  	[tilespmem:s10], [sflag:$0x1] =	stream.indirect_vreg.gather [hbm4b:s3+s2], $0x80, v4, vm0, $0xb8;
	[tilespmem:$0x8080] =	vst v63  }
0x29: {  	_ = 	snop  }
0x2a: {  	[tilespmem:s11], [sflag:$0x1] =	stream.indirect_vreg.gather [hbm4b:s3+s2], $0x80, v3, vm0, $0xb8;
	[tilespmem:$0x8080] =	vst v63  }
0x2b: {  	v3 =	vld [tilespmem:$0x20];
	_ =	sdelay $0x4  }
0x2c: {  	v58 =	vshll.u32 v3, $0x1  }
0x2d: {  	v3 =	vand.u32 $0x7, v3;
	v4 =	vand.u32 $0xFFFFFFF0, v58  }
0x2e: {  	v3 =	vor.u32 v3, v4  }
0x2f: {  	v4 =	vperm.xlane v3, v0;
	_ =	sdelay $0x1  }
0x30: {  	v3 =	vperm.xlane v3, v2;
	v4 =	vadd.s32 v1, v4;
	_ =	sdelay $0x1  }
0x31: {  	v3 =	vadd.s32 v1, v3;
	_ =	sdelay $0x2  }
0x32: {  	[tilespmem:s12], [sflag:$0x1] =	stream.indirect_vreg.gather [hbm4b:s3+s2], $0x80, v4, vm0, $0xb8;
	[tilespmem:$0x8080] =	vst v63  }
0x33: {  	_ = 	snop  }
0x34: {  	[tilespmem:s13], [sflag:$0x1] =	stream.indirect_vreg.gather [hbm4b:s3+s2], $0x80, v3, vm0, $0xb8;
	[tilespmem:$0x8080] =	vst v63  }
0x35: {  	v3 =	vld [tilespmem:$0x30];
	_ =	sdelay $0x4  }
0x36: {  	v59 =	vshll.u32 v3, $0x1  }
0x37: {  	v3 =	vand.u32 $0x7, v3;
	v4 =	vand.u32 $0xFFFFFFF0, v59  }
0x38: {  	v3 =	vor.u32 v3, v4  }
0x39: {  	v4 =	vperm.xlane v3, v0;
	_ =	sdelay $0x1  }
0x3a: {  	v3 =	vperm.xlane v3, v2;
	v4 =	vadd.s32 v1, v4;
	_ =	sdelay $0x1  }
0x3b: {  	v3 =	vadd.s32 v1, v3;
	_ =	sdelay $0x2  }
0x3c: {  	[tilespmem:s14], [sflag:$0x1] =	stream.indirect_vreg.gather [hbm4b:s3+s2], $0x80, v4, vm0, $0xb8;
	[tilespmem:$0x8080] =	vst v63  }
0x3d: {  	_ = 	snop  }
0x3e: {  	[tilespmem:s15], [sflag:$0x1] =	stream.indirect_vreg.gather [hbm4b:s3+s2], $0x80, v3, vm0, $0xb8;
	[tilespmem:$0x8080] =	vst v63  }
0x3f: {  	v3 =	vld [tilespmem:$0x40];
	_ =	sdelay $0x4  }
0x40: {  	v60 =	vshll.u32 v3, $0x1  }
0x41: {  	v3 =	vand.u32 $0x7, v3;
	v4 =	vand.u32 $0xFFFFFFF0, v60  }
0x42: {  	v3 =	vor.u32 v3, v4  }
0x43: {  	v4 =	vperm.xlane v3, v0;
	_ =	sdelay $0x1  }
0x44: {  	v3 =	vperm.xlane v3, v2;
	v4 =	vadd.s32 v1, v4;
	_ =	sdelay $0x1  }
0x45: {  	v3 =	vadd.s32 v1, v3;
	_ =	sdelay $0x2  }
0x46: {  	[tilespmem:s16], [sflag:$0x1] =	stream.indirect_vreg.gather [hbm4b:s3+s2], $0x80, v4, vm0, $0xb8;
	[tilespmem:$0x8080] =	vst v63  }
0x47: {  	_ = 	snop  }
0x48: {  	[tilespmem:s17], [sflag:$0x1] =	stream.indirect_vreg.gather [hbm4b:s3+s2], $0x80, v3, vm0, $0xb8;
	[tilespmem:$0x8080] =	vst v63  }
0x49: {  	v3 =	vld [tilespmem:$0x50];
	_ =	sdelay $0x4  }
0x4a: {  	v61 =	vshll.u32 v3, $0x1  }
0x4b: {  	v3 =	vand.u32 $0x7, v3;
	v4 =	vand.u32 $0xFFFFFFF0, v61  }
0x4c: {  	v3 =	vor.u32 v3, v4  }
0x4d: {  	v4 =	vperm.xlane v3, v0;
	_ =	sdelay $0x1  }
0x4e: {  	v3 =	vperm.xlane v3, v2;
	v4 =	vadd.s32 v1, v4;
	_ =	sdelay $0x1  }
0x4f: {  	v3 =	vadd.s32 v1, v3;
	_ =	sdelay $0x2  }
0x50: {  	[tilespmem:s18], [sflag:$0x1] =	stream.indirect_vreg.gather [hbm4b:s3+s2], $0x80, v4, vm0, $0xb8;
	[tilespmem:$0x8080] =	vst v63  }
0x51: {  	_ = 	snop  }
0x52: {  	[tilespmem:s19], [sflag:$0x1] =	stream.indirect_vreg.gather [hbm4b:s3+s2], $0x80, v3, vm0, $0xb8;
	[tilespmem:$0x8080] =	vst v63  }
0x53: {  	v3 =	vld [tilespmem:$0x60];
	_ =	sdelay $0x4  }
0x54: {  	v62 =	vshll.u32 v3, $0x1  }
0x55: {  	v3 =	vand.u32 $0x7, v3;
	v4 =	vand.u32 $0xFFFFFFF0, v62  }
0x56: {  	v3 =	vor.u32 v3, v4  }
0x57: {  	v4 =	vperm.xlane v3, v0;
	_ =	sdelay $0x1  }
0x58: {  	v3 =	vperm.xlane v3, v2;
	v4 =	vadd.s32 v1, v4;
	_ =	sdelay $0x1  }
0x59: {  	v3 =	vadd.s32 v1, v3;
	_ =	sdelay $0x2  }
0x5a: {  	[tilespmem:s20], [sflag:$0x1] =	stream.indirect_vreg.gather [hbm4b:s3+s2], $0x80, v4, vm0, $0xb8;
	[tilespmem:$0x8080] =	vst v63  }
0x5b: {  	_ = 	snop  }
0x5c: {  	[tilespmem:s21], [sflag:$0x1] =	stream.indirect_vreg.gather [hbm4b:s3+s2], $0x80, v3, vm0, $0xb8;
	[tilespmem:$0x8080] =	vst v63  }
0x5d: {  	v3 =	vld [tilespmem:$0x70];
	_ =	sdelay $0x4  }
0x5e: {  	v63 =	vshll.u32 v3, $0x1  }
0x5f: {  	v3 =	vand.u32 $0x7, v3;
	v4 =	vand.u32 $0xFFFFFFF0, v63  }
0x60: {  	v3 =	vor.u32 v3, v4  }
0x61: {  	v4 =	vperm.xlane v3, v0;
	_ =	sdelay $0x1  }
0x62: {  	v3 =	vperm.xlane v3, v2;
	v4 =	vadd.s32 v1, v4;
	_ =	sdelay $0x1  }
0x63: {  	v3 =	vadd.s32 v1, v3;
	_ =	sdelay $0x2  }
0x64: {  	[tilespmem:s22], [sflag:$0x1] =	stream.indirect_vreg.gather [hbm4b:s3+s2], $0x80, v4, vm0, $0xb8;
	[tilespmem:$0x8080] =	vst v63  }
0x65: {  	_ = 	snop  }
0x66: {  	[tilespmem:s23], [sflag:$0x1] =	stream.indirect_vreg.gather [hbm4b:s3+s2], $0x80, v3, vm0, $0xb8;
	[tilespmem:$0x8080] =	vst v63  }
0x67: {  	_ =	swait.ge [sflag:s24], $0x8000  }
0x68: {  	p0 =	sne.s32 s28, $0x70;
	[sflag:s24] =	ssyncset.done $0x0  }
.Ltmp0:
0x69: {  	[sflag:s24] =	ssyncadd.s32 $0xFFFF8000;
	(pc) =	sbr.rel @p0 .LBB2_2-.Ltmp0, $4  }
0x6a: {  	[hbm4b:s26+s2] =	stream.linear.scatter [tilespmem:s8], [sflag:$0x2], $0x8000, $0x38;
	[tilespmem:$0x8080] =	vst v63  }
0x6b: {  	_ =	swait.ge [sflag:s7], $0x8000  }
0x6c: {  	[sflag:s7] =	ssyncset.done $0x0  }
0x6d: {  	s28 =	sadd.s32 $0x10, s28;
	s26 =	sadd.s32 $0x1000, s26;
	[sflag:s7] =	ssyncadd.s32 $0xFFFF8000  }
0x6e: {  	s25 =	sadd.s32 $0x1, s25  }
0x6f: {  	p0 =	sne.s32 s25, s4  }
.Ltmp1:
0x70: {  	_ = 	snop;
	(pc) =	sbr.rel @p0 .LBB2_1-.Ltmp1, $1  }
0x71: {  	_ =	sdelay $0x3  }
0x72: {  	_ =	sfence.sel $0x180000  }
0x73: {  	[bflag:$0x0] =	sbarrier.arrive $0xFFFF  }
0x74: {  	p0 =	sne.s32 s1, $0x0;
	_ =	strace $0x90000047  }
0x75: {  	s0 =	sadd.s32 @!p0 $0x100000, s0;
	[bflag:$0x2] =	sbarrier.arrive $0xFFFF  }
0x76: {  	[sflag:s0] =	ssyncadd.tile.s32 @!p0 $0x1;
	_ =	shalt  }
.Lfunc_end2:
_tile_overlayer_lowered:
.L_overlay_start_2:
0x77: {  	(tag) =	ssettag $0x2  }
0x78: {  	s0 =	rddreg [dreg:$0x0];
	s2 =	stileid.u32  }
0x79: {  	s1 =	rddreg [dreg:$0x1];
	p0 =	sne.s32 s2, $0x0  }
0x7a: {  	s3 =	rddreg [dreg:$0x2];
	[bflag:$0x3] =	sbarrier.arrive $0xFFFF;
	s2 =	simm.s32 @!p0 $0x1C02  }
0x7b: {  	[timem:s3], [sflag:s2] =	dma.local @!p0 [hbm:s0], s1  }
0x7c: {  	s0 =	simm.s32 @!p0 $0x2  }
0x7d: {  	_ =	swait.ge @!p0 [sflag:s0], s1  }
0x7e: {  	s1 =	ssub.s32 @!p0 $0x0, s1;
	[sflag:s0] =	ssyncset.done @!p0 $0x0  }
0x7f: {  	[sflag:s0] =	ssyncadd.s32 @!p0 s1  }
0x80: {  	[bflag:$0x3] =	sbarrier.arrive $0xFFFF  }
0x81: {  	_ =	shalt  }

</sc_bundles>
